<compile_context>
chip_gen: v7x
topology: tpu7x:2x2x1
jax: 0.10.2.dev20260603
libtpu: 0.0.44.dev20260713+nightly
codegen_flags: <defaults>
</compile_context>

<pallas_src>
import functools

import jax
import jax.numpy as jnp
from jax import lax
from jax.experimental import pallas as pl
from jax.experimental.pallas import tpu as pltpu
from jax.experimental.pallas import tpu_sc as plsc

_CH = 512
_NB = 4

_ROWS_PER_WORKER = 8


def _sc_gather(idx, table):
    b_sz = idx.shape[0]
    d = table.shape[1]
    n_workers = b_sz // _ROWS_PER_WORKER
    mesh = plsc.VectorSubcoreMesh(core_axis_name="c", subcore_axis_name="s")

    @functools.partial(
        pl.kernel,
        mesh=mesh,
        out_type=jax.ShapeDtypeStruct((b_sz, d), jnp.float32),
        scratch_types=[
            pltpu.VMEM((_ROWS_PER_WORKER,), jnp.int32),
            pltpu.VMEM((_ROWS_PER_WORKER, d), jnp.float32),
            pltpu.SemaphoreType.DMA,
        ],
    )
    def gather_kernel(idx_hbm, table_hbm, out_hbm, idx_v, rows_v, sem):
        n_cores = plsc.get_sparse_core_info().num_cores
        wid = lax.axis_index("s") * n_cores + lax.axis_index("c")

        @pl.when(wid < n_workers)
        def _():
            base = wid * _ROWS_PER_WORKER
            pltpu.sync_copy(idx_hbm.at[pl.ds(base, _ROWS_PER_WORKER)], idx_v)
            pltpu.async_copy(table_hbm.at[idx_v], rows_v, sem).wait()
            pltpu.sync_copy(rows_v, out_hbm.at[pl.ds(base, _ROWS_PER_WORKER)])

    return gather_kernel(idx, table)


def _in_copy(k, x_ref, inbuf, in_sems, n_chunks):
    b = k // n_chunks
    c = k % n_chunks
    s = jax.lax.rem(k, _NB)
    return pltpu.make_async_copy(
        x_ref.at[b, pl.ds(c * _CH, _CH), :], inbuf.at[s], in_sems.at[s])


def _out_copy(k, out_ref, outbuf, out_sems, n_chunks):
    b = k // n_chunks
    c = k % n_chunks
    s = jax.lax.rem(k, _NB)
    return pltpu.make_async_copy(
        outbuf.at[s], out_ref.at[b, pl.ds(c * _CH, _CH), :], out_sems.at[s])


def _body(x_ref, pm_ref, out_ref, mask_ref,
          inbuf, outbuf, carry, tails, in_sems, out_sems, tail_sem):
    b_sz, s_sz, d = x_ref.shape
    n_chunks = s_sz // _CH
    n_total = b_sz * n_chunks

    mask_ref[:, :, 0:1] = jnp.zeros((b_sz, 1, 1), jnp.int32)
    mask_ref[:, :, 1:] = pm_ref[...]

    for k in range(_NB):
        _in_copy(k, x_ref, inbuf, in_sems, n_chunks).start()

    def step(k, _):
        b = k // n_chunks
        c = k % n_chunks
        s = jax.lax.rem(k, _NB)
        _in_copy(k, x_ref, inbuf, in_sems, n_chunks).wait()

        @pl.when(k >= _NB)
        def _():
            _out_copy(k - _NB, out_ref, outbuf, out_sems, n_chunks).wait()

        outbuf[s, 0:1, :] = carry[...]

        outbuf[s, 1:, :] = inbuf[s, : _CH - 1, :]
        carry[...] = inbuf[s, _CH - 1 : _CH, :]

        @pl.when(c == n_chunks - 1)
        def _():
            tails[b, :, :] = inbuf[s, _CH - 1 : _CH, :]

        _out_copy(k, out_ref, outbuf, out_sems, n_chunks).start()

        @pl.when(k + _NB < n_total)
        def _():
            _in_copy(k + _NB, x_ref, inbuf, in_sems, n_chunks).start()

        return 0

    jax.lax.fori_loop(0, n_total, step, 0)

    for k in range(n_total - _NB, n_total):
        _out_copy(k, out_ref, outbuf, out_sems, n_chunks).wait()

    tail = pltpu.make_async_copy(
        tails, out_ref.at[:, pl.ds(s_sz, 1), :], tail_sem)
    tail.start()
    tail.wait()


def _merge_body(out_ref, reg_ref, out2_ref, sem):
    cp = pltpu.make_async_copy(reg_ref, out2_ref.at[:, pl.ds(0, 1), :], sem)
    cp.start()
    cp.wait()


def _merge_reg_rows(out, reg_rows):
    return pl.pallas_call(
        _merge_body,
        out_shape=jax.ShapeDtypeStruct(out.shape, out.dtype),
        in_specs=[
            pl.BlockSpec(memory_space=pltpu.MemorySpace.HBM),
            pl.BlockSpec(memory_space=pltpu.MemorySpace.VMEM),
        ],
        out_specs=pl.BlockSpec(memory_space=pltpu.MemorySpace.HBM),
        scratch_shapes=[pltpu.SemaphoreType.DMA],
        input_output_aliases={0: 0},
    )(out, reg_rows)


def kernel(x, tissue_vector, padding_mask, registry_tokens):
    b_sz, s_sz, d = x.shape
    pm_i32 = padding_mask.astype(jnp.int32).reshape(b_sz, 1, s_sz)
    out, mask_i32 = pl.pallas_call(
        _body,
        out_shape=[
            jax.ShapeDtypeStruct((b_sz, s_sz + 1, d), x.dtype),
            jax.ShapeDtypeStruct((b_sz, 1, s_sz + 1), jnp.int32),
        ],
        in_specs=[
            pl.BlockSpec(memory_space=pltpu.MemorySpace.HBM),
            pl.BlockSpec(memory_space=pltpu.MemorySpace.VMEM),
        ],
        out_specs=[
            pl.BlockSpec(memory_space=pltpu.MemorySpace.HBM),
            pl.BlockSpec(memory_space=pltpu.MemorySpace.VMEM),
        ],
        scratch_shapes=[
            pltpu.VMEM((_NB, _CH, d), x.dtype),
            pltpu.VMEM((_NB, _CH, d), x.dtype),
            pltpu.VMEM((1, d), x.dtype),
            pltpu.VMEM((b_sz, 1, d), x.dtype),
            pltpu.SemaphoreType.DMA((_NB,)),
            pltpu.SemaphoreType.DMA((_NB,)),
            pltpu.SemaphoreType.DMA,
        ],
    )(x, pm_i32)
    reg_rows = _sc_gather(tissue_vector[:, 0], registry_tokens)
    out = _merge_reg_rows(out, reg_rows.reshape(b_sz, 1, d))
    return out, mask_i32.reshape(b_sz, s_sz + 1).astype(padding_mask.dtype)

# --- scband reference (transcript-rebuilt; emitter-appended) ---
"""Pipeline reference for scband-concat-tissue-context-23536420782757 (READ-ONLY COPY).

The authoritative reference and input builder live on the scoring server;
editing this copy changes nothing except your own understanding.
"""

import jax, jax.numpy as jnp
import numpy as np

B, S, D = 32, 2048, 1024
NUM_TISSUES = 100

def setup_inputs(seed: int = 0) -> dict:
    key = jax.random.key(seed)
    k1, k2, k3 = jax.random.split(key, 3)
    x = jax.random.normal(k1, (B, S, D), dtype=jnp.float32)
    tissue_vector = jax.random.randint(k2, (B, 1), 0, NUM_TISSUES, dtype=jnp.int32)
    padding_mask = jnp.zeros((B, S), dtype=bool)
    registry_tokens = jax.random.normal(k3, (NUM_TISSUES, D), dtype=jnp.float32) * 0.02
    return {"x": x, "tissue_vector": tissue_vector, "padding_mask": padding_mask, "registry_tokens": registry_tokens}

def reference(x, tissue_vector, padding_mask, registry_tokens):
    # registry_tokens(tissue_vector[i][0]) for each batch element -> [B, 1, D]
    reg = jnp.take(registry_tokens, tissue_vector[:, 0], axis=0)[:, None, :]
    combined_x = jnp.concatenate([reg, x], axis=1)  # [B, S+1, D]
    start_mask = jnp.zeros((padding_mask.shape[0], 1), dtype=padding_mask.dtype)
    new_mask = jnp.concatenate([start_mask, padding_mask], axis=1)  # [B, S+1]
    return (combined_x, new_mask)

if __name__ == "__main__":
    import jax
    _d = setup_inputs()
    print(jax.jit(kernel)(*tuple(_d.values())))

</pallas_src>

<mosaic_0001>
#map = affine_map<(d0, d1) -> (0)>
#map1 = affine_map<(d0, d1) -> (0, 0)>
module attributes {stable_mosaic.version = 14 : i64} {
  func.func @gather_kernel(%arg0: i32, %arg1: i32, %arg2: memref<32xi32, #tpu.memory_space<hbm>>, %arg3: memref<100x1024xf32, #tpu.memory_space<hbm>>, %arg4: memref<32x1024xf32, #tpu.memory_space<hbm>>, %arg5: memref<8xi32, #tpu.memory_space<vmem>>, %arg6: memref<8x1024xf32, #tpu.memory_space<vmem>>, %arg7: memref<!tpu.dma_semaphore, #tpu.memory_space<semaphore_mem>>) attributes {dimension_semantics = [#tpu.dimension_semantics<core_parallel>, #tpu.dimension_semantics<subcore_parallel>], iteration_bounds = array<i64: 2, 16>, scalar_prefetch = 0 : i64, scratch_operands = 3 : i64, tpu.core_type = #tpu.core_type<sc_vector_subcore>, window_params = [{transform_indices = #map}, {transform_indices = #map1}, {transform_indices = #map1}]} {
    %mul3A = arith.constant 2 : i32
    %mul3A_0 = arith.muli %arg1, %mul3A : i32
    %add3A = arith.addi %mul3A_0, %arg0 : i32
    %lt3A = arith.constant 4 : i32
    %lt3A_1 = arith.cmpi slt, %add3A, %lt3A : i32
    %convert_element_type3A = arith.extui %lt3A_1 : i1 to i32
    %cond3A = arith.constant 0 : i32
    %cond3A_2 = arith.cmpi ne, %convert_element_type3A, %cond3A : i32
    scf.if %cond3A_2 {
      %mul3A_3 = arith.constant 8 : i32
      %mul3A_4 = arith.muli %add3A, %mul3A_3 : i32
      "tpu.region"() ({
        %run_scoped3A = tpu.sem_alloc : memref<!tpu.dma_semaphore, #tpu.memory_space<semaphore_mem>>
        %dma_start3A_9 = tpu.memref_slice %arg2[%mul3A_4] : memref<32xi32, #tpu.memory_space<hbm>> -> memref<8xi32, #tpu.memory_space<hbm>>
        %dma_start3A_10 = tpu.memref_slice %arg2[%mul3A_4] : memref<32xi32, #tpu.memory_space<hbm>> -> memref<8xi32, #tpu.memory_space<hbm>>
        tpu.enqueue_dma source(%dma_start3A_10 : memref<8xi32, #tpu.memory_space<hbm>>) target(%arg5 : memref<8xi32, #tpu.memory_space<vmem>>) target_semaphore(%run_scoped3A : memref<!tpu.dma_semaphore, #tpu.memory_space<semaphore_mem>>)
        %dma_wait3A_11 = tpu.memref_slice %arg2[%mul3A_4] : memref<32xi32, #tpu.memory_space<hbm>> -> memref<8xi32, #tpu.memory_space<hbm>>
        %dma_wait3A_12 = tpu.memref_slice %arg2[%mul3A_4] : memref<32xi32, #tpu.memory_space<hbm>> -> memref<8xi32, #tpu.memory_space<hbm>>
        tpu.wait_dma2 semaphore(%run_scoped3A : memref<!tpu.dma_semaphore, #tpu.memory_space<semaphore_mem>>) src(%dma_wait3A_12 : memref<8xi32, #tpu.memory_space<hbm>>) dst(%arg5 : memref<8xi32, #tpu.memory_space<vmem>>)
        tpu.yield
      }) : () -> ()
      %dma_start3A = arith.constant 0 : i32
      %dma_start3A_5 = arith.constant 0 : i32
      %dma_start3A_6 = tpu.memref_slice %arg3[%dma_start3A, %dma_start3A_5] : memref<100x1024xf32, #tpu.memory_space<hbm>> -> memref<100x1024xf32, #tpu.memory_space<hbm>>
      tpu.enqueue_indirect_dma source(%dma_start3A_6 : memref<100x1024xf32, #tpu.memory_space<hbm>>) target(%arg6 : memref<8x1024xf32, #tpu.memory_space<vmem>>) offsets(%arg5 : memref<8xi32, #tpu.memory_space<vmem>>) semaphore(%arg7 : memref<!tpu.dma_semaphore, #tpu.memory_space<semaphore_mem>>)
      %dma_wait3A = arith.constant 0 : i32
      %dma_wait3A_7 = arith.constant 0 : i32
      %dma_wait3A_8 = tpu.memref_slice %arg3[%dma_wait3A, %dma_wait3A_7] : memref<100x1024xf32, #tpu.memory_space<hbm>> -> memref<100x1024xf32, #tpu.memory_space<hbm>>
      tpu.wait_indirect_dma semaphore(%arg7 : memref<!tpu.dma_semaphore, #tpu.memory_space<semaphore_mem>>) src(%dma_wait3A_8 : memref<100x1024xf32, #tpu.memory_space<hbm>>) dst(%arg6 : memref<8x1024xf32, #tpu.memory_space<vmem>>)
      "tpu.region"() ({
        %run_scoped3A = tpu.sem_alloc : memref<!tpu.dma_semaphore, #tpu.memory_space<semaphore_mem>>
        %dma_start3A_9 = arith.constant 0 : i32
        %dma_start3A_10 = tpu.memref_slice %arg4[%mul3A_4, %dma_start3A_9] : memref<32x1024xf32, #tpu.memory_space<hbm>> -> memref<8x1024xf32, #tpu.memory_space<hbm>>
        %dma_start3A_11 = arith.constant 0 : i32
        %dma_start3A_12 = tpu.memref_slice %arg4[%mul3A_4, %dma_start3A_11] : memref<32x1024xf32, #tpu.memory_space<hbm>> -> memref<8x1024xf32, #tpu.memory_space<hbm>>
        tpu.enqueue_dma source(%arg6 : memref<8x1024xf32, #tpu.memory_space<vmem>>) target(%dma_start3A_12 : memref<8x1024xf32, #tpu.memory_space<hbm>>) target_semaphore(%run_scoped3A : memref<!tpu.dma_semaphore, #tpu.memory_space<semaphore_mem>>)
        %dma_wait3A_13 = arith.constant 0 : i32
        %dma_wait3A_14 = tpu.memref_slice %arg4[%mul3A_4, %dma_wait3A_13] : memref<32x1024xf32, #tpu.memory_space<hbm>> -> memref<8x1024xf32, #tpu.memory_space<hbm>>
        %dma_wait3A_15 = arith.constant 0 : i32
        %dma_wait3A_16 = tpu.memref_slice %arg4[%mul3A_4, %dma_wait3A_15] : memref<32x1024xf32, #tpu.memory_space<hbm>> -> memref<8x1024xf32, #tpu.memory_space<hbm>>
        tpu.wait_dma2 semaphore(%run_scoped3A : memref<!tpu.dma_semaphore, #tpu.memory_space<semaphore_mem>>) src(%arg6 : memref<8x1024xf32, #tpu.memory_space<vmem>>) dst(%dma_wait3A_16 : memref<8x1024xf32, #tpu.memory_space<hbm>>)
        tpu.yield
      }) : () -> ()
    } else {
    }
    return
  }
}

module attributes {stable_mosaic.version = 14 : i64} {
  func.func @_body(%arg0: memref<32x2048x1024xf32, #tpu.memory_space<hbm>>, %arg1: memref<32x1x2048xi32, #tpu.memory_space<vmem>>, %arg2: memref<32x2049x1024xf32, #tpu.memory_space<hbm>>, %arg3: memref<32x1x2049xi32, #tpu.memory_space<vmem>>, %arg4: memref<4x512x1024xf32, #tpu.memory_space<vmem>>, %arg5: memref<4x512x1024xf32, #tpu.memory_space<vmem>>, %arg6: memref<1x1024xf32, #tpu.memory_space<vmem>>, %arg7: memref<32x1x1024xf32, #tpu.memory_space<vmem>>, %arg8: memref<4x!tpu.dma_semaphore, #tpu.memory_space<semaphore_mem>>, %arg9: memref<4x!tpu.dma_semaphore, #tpu.memory_space<semaphore_mem>>, %arg10: memref<!tpu.dma_semaphore, #tpu.memory_space<semaphore_mem>>) attributes {dimension_semantics = [], scalar_prefetch = 0 : i64, scratch_operands = 7 : i64, tpu.core_type = #tpu.core_type<tc>} {
    %broadcast_in_dim3A = arith.constant 0 : i32
    %broadcast_in_dim3A_0 = vector.broadcast %broadcast_in_dim3A : i32 to vector<32x1x1xi32>
    %swap3A = arith.constant 0 : index
    %swap3A_1 = arith.constant 0 : index
    %swap3A_2 = arith.constant 0 : index
    %swap3A_3 = vector.load %arg3[%swap3A, %swap3A_1, %swap3A_2] : memref<32x1x2049xi32, #tpu.memory_space<vmem>>, vector<32x1x1xi32>
    tpu.vector_store %arg3[%swap3A, %swap3A_1, %swap3A_2], %broadcast_in_dim3A_0 {strides = array<i32>} : memref<32x1x2049xi32, #tpu.memory_space<vmem>>, vector<32x1x1xi32>,
    %get3A = arith.constant 0 : index
    %get3A_4 = arith.constant 0 : index
    %get3A_5 = arith.constant 0 : index
    %get3A_6 = vector.load %arg1[%get3A, %get3A_4, %get3A_5] : memref<32x1x2048xi32, #tpu.memory_space<vmem>>, vector<32x1x2048xi32>
    %swap3A_7 = arith.constant 0 : index
    %swap3A_8 = arith.constant 0 : index
    %swap3A_9 = arith.constant 1 : index
    %swap3A_10 = vector.load %arg3[%swap3A_7, %swap3A_8, %swap3A_9] : memref<32x1x2049xi32, #tpu.memory_space<vmem>>, vector<32x1x2048xi32>
    tpu.vector_store %arg3[%swap3A_7, %swap3A_8, %swap3A_9], %get3A_6 {strides = array<i32>} : memref<32x1x2049xi32, #tpu.memory_space<vmem>>, vector<32x1x2048xi32>,
    %rem3A = arith.constant 0 : i32
    %rem3A_11 = arith.constant 4 : i32
    %rem3A_12 = arith.remsi %rem3A, %rem3A_11 : i32
    %dma_start3A = arith.constant 0 : i32
    %dma_start3A_13 = tpu.memref_slice %arg8[%rem3A_12] : memref<4x!tpu.dma_semaphore, #tpu.memory_space<semaphore_mem>> -> memref<1x!tpu.dma_semaphore, #tpu.memory_space<semaphore_mem>>
    %dma_start3A_14 = tpu.memref_squeeze %dma_start3A_13 : memref<1x!tpu.dma_semaphore, #tpu.memory_space<semaphore_mem>> -> memref<!tpu.dma_semaphore, #tpu.memory_space<semaphore_mem>>
    %dma_start3A_15 = arith.constant 0 : i32
    %dma_start3A_16 = arith.constant 0 : i32
    %dma_start3A_17 = tpu.memref_slice %arg4[%rem3A_12, %dma_start3A_15, %dma_start3A_16] : memref<4x512x1024xf32, #tpu.memory_space<vmem>> -> memref<1x512x1024xf32, #tpu.memory_space<vmem>>
    %dma_start3A_18 = tpu.memref_squeeze %dma_start3A_17 : memref<1x512x1024xf32, #tpu.memory_space<vmem>> -> memref<512x1024xf32, #tpu.memory_space<vmem>>
    %dma_start3A_19 = arith.constant 0 : i32
    %dma_start3A_20 = arith.constant 0 : i32
    %dma_start3A_21 = tpu.memref_slice %arg0[%dma_start3A, %dma_start3A_19, %dma_start3A_20] : memref<32x2048x1024xf32, #tpu.memory_space<hbm>> -> memref<1x512x1024xf32, #tpu.memory_space<hbm>>
    %dma_start3A_22 = tpu.memref_squeeze %dma_start3A_21 : memref<1x512x1024xf32, #tpu.memory_space<hbm>> -> memref<512x1024xf32, #tpu.memory_space<hbm>>
    tpu.enqueue_dma source(%dma_start3A_22 : memref<512x1024xf32, #tpu.memory_space<hbm>>) target(%dma_start3A_18 : memref<512x1024xf32, #tpu.memory_space<vmem>>) target_semaphore(%dma_start3A_14 : memref<!tpu.dma_semaphore, #tpu.memory_space<semaphore_mem>>)
    %rem3A_23 = arith.constant 1 : i32
    %rem3A_24 = arith.constant 4 : i32
    %rem3A_25 = arith.remsi %rem3A_23, %rem3A_24 : i32
    %dma_start3A_26 = arith.constant 0 : i32
    %dma_start3A_27 = tpu.memref_slice %arg8[%rem3A_25] : memref<4x!tpu.dma_semaphore, #tpu.memory_space<semaphore_mem>> -> memref<1x!tpu.dma_semaphore, #tpu.memory_space<semaphore_mem>>
    %dma_start3A_28 = tpu.memref_squeeze %dma_start3A_27 : memref<1x!tpu.dma_semaphore, #tpu.memory_space<semaphore_mem>> -> memref<!tpu.dma_semaphore, #tpu.memory_space<semaphore_mem>>
    %dma_start3A_29 = arith.constant 0 : i32
    %dma_start3A_30 = arith.constant 0 : i32
    %dma_start3A_31 = tpu.memref_slice %arg4[%rem3A_25, %dma_start3A_29, %dma_start3A_30] : memref<4x512x1024xf32, #tpu.memory_space<vmem>> -> memref<1x512x1024xf32, #tpu.memory_space<vmem>>
    %dma_start3A_32 = tpu.memref_squeeze %dma_start3A_31 : memref<1x512x1024xf32, #tpu.memory_space<vmem>> -> memref<512x1024xf32, #tpu.memory_space<vmem>>
    %dma_start3A_33 = arith.constant 512 : i32
    %dma_start3A_34 = arith.constant 0 : i32
    %dma_start3A_35 = tpu.memref_slice %arg0[%dma_start3A_26, %dma_start3A_33, %dma_start3A_34] : memref<32x2048x1024xf32, #tpu.memory_space<hbm>> -> memref<1x512x1024xf32, #tpu.memory_space<hbm>>
    %dma_start3A_36 = tpu.memref_squeeze %dma_start3A_35 : memref<1x512x1024xf32, #tpu.memory_space<hbm>> -> memref<512x1024xf32, #tpu.memory_space<hbm>>
    tpu.enqueue_dma source(%dma_start3A_36 : memref<512x1024xf32, #tpu.memory_space<hbm>>) target(%dma_start3A_32 : memref<512x1024xf32, #tpu.memory_space<vmem>>) target_semaphore(%dma_start3A_28 : memref<!tpu.dma_semaphore, #tpu.memory_space<semaphore_mem>>)
    %rem3A_37 = arith.constant 2 : i32
    %rem3A_38 = arith.constant 4 : i32
    %rem3A_39 = arith.remsi %rem3A_37, %rem3A_38 : i32
    %dma_start3A_40 = arith.constant 0 : i32
    %dma_start3A_41 = tpu.memref_slice %arg8[%rem3A_39] : memref<4x!tpu.dma_semaphore, #tpu.memory_space<semaphore_mem>> -> memref<1x!tpu.dma_semaphore, #tpu.memory_space<semaphore_mem>>
    %dma_start3A_42 = tpu.memref_squeeze %dma_start3A_41 : memref<1x!tpu.dma_semaphore, #tpu.memory_space<semaphore_mem>> -> memref<!tpu.dma_semaphore, #tpu.memory_space<semaphore_mem>>
    %dma_start3A_43 = arith.constant 0 : i32
    %dma_start3A_44 = arith.constant 0 : i32
    %dma_start3A_45 = tpu.memref_slice %arg4[%rem3A_39, %dma_start3A_43, %dma_start3A_44] : memref<4x512x1024xf32, #tpu.memory_space<vmem>> -> memref<1x512x1024xf32, #tpu.memory_space<vmem>>
    %dma_start3A_46 = tpu.memref_squeeze %dma_start3A_45 : memref<1x512x1024xf32, #tpu.memory_space<vmem>> -> memref<512x1024xf32, #tpu.memory_space<vmem>>
    %dma_start3A_47 = arith.constant 1024 : i32
    %dma_start3A_48 = arith.constant 0 : i32
    %dma_start3A_49 = tpu.memref_slice %arg0[%dma_start3A_40, %dma_start3A_47, %dma_start3A_48] : memref<32x2048x1024xf32, #tpu.memory_space<hbm>> -> memref<1x512x1024xf32, #tpu.memory_space<hbm>>
    %dma_start3A_50 = tpu.memref_squeeze %dma_start3A_49 : memref<1x512x1024xf32, #tpu.memory_space<hbm>> -> memref<512x1024xf32, #tpu.memory_space<hbm>>
    tpu.enqueue_dma source(%dma_start3A_50 : memref<512x1024xf32, #tpu.memory_space<hbm>>) target(%dma_start3A_46 : memref<512x1024xf32, #tpu.memory_space<vmem>>) target_semaphore(%dma_start3A_42 : memref<!tpu.dma_semaphore, #tpu.memory_space<semaphore_mem>>)
    %rem3A_51 = arith.constant 3 : i32
    %rem3A_52 = arith.constant 4 : i32
    %rem3A_53 = arith.remsi %rem3A_51, %rem3A_52 : i32
    %dma_start3A_54 = arith.constant 0 : i32
    %dma_start3A_55 = tpu.memref_slice %arg8[%rem3A_53] : memref<4x!tpu.dma_semaphore, #tpu.memory_space<semaphore_mem>> -> memref<1x!tpu.dma_semaphore, #tpu.memory_space<semaphore_mem>>
    %dma_start3A_56 = tpu.memref_squeeze %dma_start3A_55 : memref<1x!tpu.dma_semaphore, #tpu.memory_space<semaphore_mem>> -> memref<!tpu.dma_semaphore, #tpu.memory_space<semaphore_mem>>
    %dma_start3A_57 = arith.constant 0 : i32
    %dma_start3A_58 = arith.constant 0 : i32
    %dma_start3A_59 = tpu.memref_slice %arg4[%rem3A_53, %dma_start3A_57, %dma_start3A_58] : memref<4x512x1024xf32, #tpu.memory_space<vmem>> -> memref<1x512x1024xf32, #tpu.memory_space<vmem>>
    %dma_start3A_60 = tpu.memref_squeeze %dma_start3A_59 : memref<1x512x1024xf32, #tpu.memory_space<vmem>> -> memref<512x1024xf32, #tpu.memory_space<vmem>>
    %dma_start3A_61 = arith.constant 1536 : i32
    %dma_start3A_62 = arith.constant 0 : i32
    %dma_start3A_63 = tpu.memref_slice %arg0[%dma_start3A_54, %dma_start3A_61, %dma_start3A_62] : memref<32x2048x1024xf32, #tpu.memory_space<hbm>> -> memref<1x512x1024xf32, #tpu.memory_space<hbm>>
    %dma_start3A_64 = tpu.memref_squeeze %dma_start3A_63 : memref<1x512x1024xf32, #tpu.memory_space<hbm>> -> memref<512x1024xf32, #tpu.memory_space<hbm>>
    tpu.enqueue_dma source(%dma_start3A_64 : memref<512x1024xf32, #tpu.memory_space<hbm>>) target(%dma_start3A_60 : memref<512x1024xf32, #tpu.memory_space<vmem>>) target_semaphore(%dma_start3A_56 : memref<!tpu.dma_semaphore, #tpu.memory_space<semaphore_mem>>)
    %scan3A = arith.constant 0 : i32
    %scan3A_65 = arith.constant 128 : i32
    %scan3A_66 = arith.addi %scan3A, %scan3A_65 : i32
    %scan3A_67 = arith.constant 1 : i32
    scf.for %scan3A_132 = %scan3A to %scan3A_66 step %scan3A_67  : i32 {
      %jit3A = arith.constant 4 : i32
      %div3A = arith.divsi %scan3A_132, %jit3A : i32
      %sign3A = arith.constant 0 : i32
      %sign3A_133 = arith.cmpi sgt, %scan3A_132, %sign3A : i32
      %sign3A_134 = arith.extui %sign3A_133 : i1 to i32
      %sign3A_135 = arith.constant 0 : i32
      %sign3A_136 = arith.cmpi slt, %scan3A_132, %sign3A_135 : i32
      %sign3A_137 = arith.extui %sign3A_136 : i1 to i32
      %sign3A_138 = arith.subi %sign3A_134, %sign3A_137 : i32
      %sign3A_139 = arith.constant 0 : i32
      %sign3A_140 = arith.cmpi sgt, %jit3A, %sign3A_139 : i32
      %sign3A_141 = arith.extui %sign3A_140 : i1 to i32
      %sign3A_142 = arith.constant 0 : i32
      %sign3A_143 = arith.cmpi slt, %jit3A, %sign3A_142 : i32
      %sign3A_144 = arith.extui %sign3A_143 : i1 to i32
      %sign3A_145 = arith.subi %sign3A_141, %sign3A_144 : i32
      %ne3A = arith.cmpi ne, %sign3A_138, %sign3A_145 : i32
      %rem3A_146 = arith.remsi %scan3A_132, %jit3A : i32
      %ne3A_147 = arith.constant 0 : i32
      %ne3A_148 = arith.cmpi ne, %rem3A_146, %ne3A_147 : i32
      %and3A = arith.andi %ne3A, %ne3A_148 : i1
      %sub3A = arith.constant 1 : i32
      %sub3A_149 = arith.subi %div3A, %sub3A : i32
      %select_n3A = arith.select %and3A, %sub3A_149, %div3A : i32
      %jit3A_150 = arith.constant 4 : i32
      %eq3A = arith.constant 0 : i32
      %eq3A_151 = arith.cmpi eq, %jit3A_150, %eq3A : i32
      %jit3A_152 = arith.constant 1 : i32
      %select_n3A_153 = arith.select %eq3A_151, %jit3A_152, %jit3A_150 : i32
      %rem3A_154 = arith.remsi %scan3A_132, %select_n3A_153 : i32
      %ne3A_155 = arith.constant 0 : i32
      %ne3A_156 = arith.cmpi ne, %rem3A_154, %ne3A_155 : i32
      %lt3A = arith.constant 0 : i32
      %lt3A_157 = arith.cmpi slt, %rem3A_154, %lt3A : i32
      %lt3A_158 = arith.constant 0 : i32
      %lt3A_159 = arith.cmpi slt, %select_n3A_153, %lt3A_158 : i32
      %ne3A_160 = arith.xori %lt3A_157, %lt3A_159 : i1
      %and3A_161 = arith.andi %ne3A_160, %ne3A_156 : i1
      %add3A = arith.addi %rem3A_154, %select_n3A_153 : i32
      %select_n3A_162 = arith.select %and3A_161, %add3A, %rem3A_154 : i32
      %rem3A_163 = arith.constant 4 : i32
      %rem3A_164 = arith.remsi %scan3A_132, %rem3A_163 : i32
      %jit3A_165 = arith.constant 4 : i32
      %div3A_166 = arith.divsi %scan3A_132, %jit3A_165 : i32
      %sign3A_167 = arith.constant 0 : i32
      %sign3A_168 = arith.cmpi sgt, %scan3A_132, %sign3A_167 : i32
      %sign3A_169 = arith.extui %sign3A_168 : i1 to i32
      %sign3A_170 = arith.constant 0 : i32
      %sign3A_171 = arith.cmpi slt, %scan3A_132, %sign3A_170 : i32
      %sign3A_172 = arith.extui %sign3A_171 : i1 to i32
      %sign3A_173 = arith.subi %sign3A_169, %sign3A_172 : i32
      %sign3A_174 = arith.constant 0 : i32
      %sign3A_175 = arith.cmpi sgt, %jit3A_165, %sign3A_174 : i32
      %sign3A_176 = arith.extui %sign3A_175 : i1 to i32
      %sign3A_177 = arith.constant 0 : i32
      %sign3A_178 = arith.cmpi slt, %jit3A_165, %sign3A_177 : i32
      %sign3A_179 = arith.extui %sign3A_178 : i1 to i32
      %sign3A_180 = arith.subi %sign3A_176, %sign3A_179 : i32
      %ne3A_181 = arith.cmpi ne, %sign3A_173, %sign3A_180 : i32
      %rem3A_182 = arith.remsi %scan3A_132, %jit3A_165 : i32
      %ne3A_183 = arith.constant 0 : i32
      %ne3A_184 = arith.cmpi ne, %rem3A_182, %ne3A_183 : i32
      %and3A_185 = arith.andi %ne3A_181, %ne3A_184 : i1
      %sub3A_186 = arith.constant 1 : i32
      %sub3A_187 = arith.subi %div3A_166, %sub3A_186 : i32
      %select_n3A_188 = arith.select %and3A_185, %sub3A_187, %div3A_166 : i32
      %jit3A_189 = arith.constant 4 : i32
      %eq3A_190 = arith.constant 0 : i32
      %eq3A_191 = arith.cmpi eq, %jit3A_189, %eq3A_190 : i32
      %jit3A_192 = arith.constant 1 : i32
      %select_n3A_193 = arith.select %eq3A_191, %jit3A_192, %jit3A_189 : i32
      %rem3A_194 = arith.remsi %scan3A_132, %select_n3A_193 : i32
      %ne3A_195 = arith.constant 0 : i32
      %ne3A_196 = arith.cmpi ne, %rem3A_194, %ne3A_195 : i32
      %lt3A_197 = arith.constant 0 : i32
      %lt3A_198 = arith.cmpi slt, %rem3A_194, %lt3A_197 : i32
      %lt3A_199 = arith.constant 0 : i32
      %lt3A_200 = arith.cmpi slt, %select_n3A_193, %lt3A_199 : i32
      %ne3A_201 = arith.xori %lt3A_198, %lt3A_200 : i1
      %and3A_202 = arith.andi %ne3A_201, %ne3A_196 : i1
      %add3A_203 = arith.addi %rem3A_194, %select_n3A_193 : i32
      %select_n3A_204 = arith.select %and3A_202, %add3A_203, %rem3A_194 : i32
      %rem3A_205 = arith.constant 4 : i32
      %rem3A_206 = arith.remsi %scan3A_132, %rem3A_205 : i32
      %mul3A = arith.constant 512 : i32
      %mul3A_207 = arith.muli %select_n3A_204, %mul3A : i32
      %dma_wait3A_208 = tpu.memref_slice %arg8[%rem3A_206] : memref<4x!tpu.dma_semaphore, #tpu.memory_space<semaphore_mem>> -> memref<1x!tpu.dma_semaphore, #tpu.memory_space<semaphore_mem>>
      %dma_wait3A_209 = tpu.memref_squeeze %dma_wait3A_208 : memref<1x!tpu.dma_semaphore, #tpu.memory_space<semaphore_mem>> -> memref<!tpu.dma_semaphore, #tpu.memory_space<semaphore_mem>>
      %dma_wait3A_210 = arith.constant 0 : i32
      %dma_wait3A_211 = arith.constant 0 : i32
      %dma_wait3A_212 = tpu.memref_slice %arg4[%rem3A_206, %dma_wait3A_210, %dma_wait3A_211] : memref<4x512x1024xf32, #tpu.memory_space<vmem>> -> memref<1x512x1024xf32, #tpu.memory_space<vmem>>
      %dma_wait3A_213 = tpu.memref_squeeze %dma_wait3A_212 : memref<1x512x1024xf32, #tpu.memory_space<vmem>> -> memref<512x1024xf32, #tpu.memory_space<vmem>>
      %dma_wait3A_214 = arith.constant 0 : i32
      %dma_wait3A_215 = tpu.memref_slice %arg0[%select_n3A_188, %mul3A_207, %dma_wait3A_214] : memref<32x2048x1024xf32, #tpu.memory_space<hbm>> -> memref<1x512x1024xf32, #tpu.memory_space<hbm>>
      %dma_wait3A_216 = tpu.memref_squeeze %dma_wait3A_215 : memref<1x512x1024xf32, #tpu.memory_space<hbm>> -> memref<512x1024xf32, #tpu.memory_space<hbm>>
      tpu.wait_dma2 semaphore(%dma_wait3A_209 : memref<!tpu.dma_semaphore, #tpu.memory_space<semaphore_mem>>) src(%dma_wait3A_216 : memref<512x1024xf32, #tpu.memory_space<hbm>>) dst(%dma_wait3A_213 : memref<512x1024xf32, #tpu.memory_space<vmem>>)
      %ge3A = arith.constant 4 : i32
      %ge3A_217 = arith.cmpi sge, %scan3A_132, %ge3A : i32
      %convert_element_type3A = arith.extui %ge3A_217 : i1 to i32
      %cond3A = arith.constant 0 : i32
      %cond3A_218 = arith.cmpi ne, %convert_element_type3A, %cond3A : i32
      scf.if %cond3A_218 {
        %sub3A_312 = arith.constant 4 : i32
        %sub3A_313 = arith.subi %scan3A_132, %sub3A_312 : i32
        %jit3A_314 = arith.constant 4 : i32
        %div3A_315 = arith.divsi %sub3A_313, %jit3A_314 : i32
        %sign3A_316 = arith.constant 0 : i32
        %sign3A_317 = arith.cmpi sgt, %sub3A_313, %sign3A_316 : i32
        %sign3A_318 = arith.extui %sign3A_317 : i1 to i32
        %sign3A_319 = arith.constant 0 : i32
        %sign3A_320 = arith.cmpi slt, %sub3A_313, %sign3A_319 : i32
        %sign3A_321 = arith.extui %sign3A_320 : i1 to i32
        %sign3A_322 = arith.subi %sign3A_318, %sign3A_321 : i32
        %sign3A_323 = arith.constant 0 : i32
        %sign3A_324 = arith.cmpi sgt, %jit3A_314, %sign3A_323 : i32
        %sign3A_325 = arith.extui %sign3A_324 : i1 to i32
        %sign3A_326 = arith.constant 0 : i32
        %sign3A_327 = arith.cmpi slt, %jit3A_314, %sign3A_326 : i32
        %sign3A_328 = arith.extui %sign3A_327 : i1 to i32
        %sign3A_329 = arith.subi %sign3A_325, %sign3A_328 : i32
        %ne3A_330 = arith.cmpi ne, %sign3A_322, %sign3A_329 : i32
        %rem3A_331 = arith.remsi %sub3A_313, %jit3A_314 : i32
        %ne3A_332 = arith.constant 0 : i32
        %ne3A_333 = arith.cmpi ne, %rem3A_331, %ne3A_332 : i32
        %and3A_334 = arith.andi %ne3A_330, %ne3A_333 : i1
        %sub3A_335 = arith.constant 1 : i32
        %sub3A_336 = arith.subi %div3A_315, %sub3A_335 : i32
        %select_n3A_337 = arith.select %and3A_334, %sub3A_336, %div3A_315 : i32
        %jit3A_338 = arith.constant 4 : i32
        %eq3A_339 = arith.constant 0 : i32
        %eq3A_340 = arith.cmpi eq, %jit3A_338, %eq3A_339 : i32
        %jit3A_341 = arith.constant 1 : i32
        %select_n3A_342 = arith.select %eq3A_340, %jit3A_341, %jit3A_338 : i32
        %rem3A_343 = arith.remsi %sub3A_313, %select_n3A_342 : i32
        %ne3A_344 = arith.constant 0 : i32
        %ne3A_345 = arith.cmpi ne, %rem3A_343, %ne3A_344 : i32
        %lt3A_346 = arith.constant 0 : i32
        %lt3A_347 = arith.cmpi slt, %rem3A_343, %lt3A_346 : i32
        %lt3A_348 = arith.constant 0 : i32
        %lt3A_349 = arith.cmpi slt, %select_n3A_342, %lt3A_348 : i32
        %ne3A_350 = arith.xori %lt3A_347, %lt3A_349 : i1
        %and3A_351 = arith.andi %ne3A_350, %ne3A_345 : i1
        %add3A_352 = arith.addi %rem3A_343, %select_n3A_342 : i32
        %select_n3A_353 = arith.select %and3A_351, %add3A_352, %rem3A_343 : i32
        %rem3A_354 = arith.constant 4 : i32
        %rem3A_355 = arith.remsi %sub3A_313, %rem3A_354 : i32
        %mul3A_356 = arith.constant 512 : i32
        %mul3A_357 = arith.muli %select_n3A_353, %mul3A_356 : i32
        %dma_wait3A_358 = tpu.memref_slice %arg9[%rem3A_355] : memref<4x!tpu.dma_semaphore, #tpu.memory_space<semaphore_mem>> -> memref<1x!tpu.dma_semaphore, #tpu.memory_space<semaphore_mem>>
        %dma_wait3A_359 = tpu.memref_squeeze %dma_wait3A_358 : memref<1x!tpu.dma_semaphore, #tpu.memory_space<semaphore_mem>> -> memref<!tpu.dma_semaphore, #tpu.memory_space<semaphore_mem>>
        %dma_wait3A_360 = arith.constant 0 : i32
        %dma_wait3A_361 = tpu.memref_slice %arg2[%select_n3A_337, %mul3A_357, %dma_wait3A_360] : memref<32x2049x1024xf32, #tpu.memory_space<hbm>> -> memref<1x512x1024xf32, #tpu.memory_space<hbm>>
        %dma_wait3A_362 = tpu.memref_squeeze %dma_wait3A_361 : memref<1x512x1024xf32, #tpu.memory_space<hbm>> -> memref<512x1024xf32, #tpu.memory_space<hbm>>
        %dma_wait3A_363 = arith.constant 0 : i32
        %dma_wait3A_364 = arith.constant 0 : i32
        %dma_wait3A_365 = tpu.memref_slice %arg5[%rem3A_355, %dma_wait3A_363, %dma_wait3A_364] : memref<4x512x1024xf32, #tpu.memory_space<vmem>> -> memref<1x512x1024xf32, #tpu.memory_space<vmem>>
        %dma_wait3A_366 = tpu.memref_squeeze %dma_wait3A_365 : memref<1x512x1024xf32, #tpu.memory_space<vmem>> -> memref<512x1024xf32, #tpu.memory_space<vmem>>
        tpu.wait_dma2 semaphore(%dma_wait3A_359 : memref<!tpu.dma_semaphore, #tpu.memory_space<semaphore_mem>>) src(%dma_wait3A_366 : memref<512x1024xf32, #tpu.memory_space<vmem>>) dst(%dma_wait3A_362 : memref<512x1024xf32, #tpu.memory_space<hbm>>)
      } else {
      }
      %get3A_219 = arith.constant 0 : index
      %get3A_220 = arith.constant 0 : index
      %get3A_221 = vector.load %arg6[%get3A_219, %get3A_220] : memref<1x1024xf32, #tpu.memory_space<vmem>>, vector<1x1024xf32>
      %swap3A_222 = arith.index_cast %rem3A_164 : i32 to index
      %swap3A_223 = arith.constant 0 : index
      %swap3A_224 = arith.constant 0 : index
      %swap3A_225 = vector.load %arg5[%swap3A_222, %swap3A_223, %swap3A_224] : memref<4x512x1024xf32, #tpu.memory_space<vmem>>, vector<1x1x1024xf32>
      %swap3A_226 = vector.shape_cast %swap3A_225 : vector<1x1x1024xf32> to vector<1x1024xf32>
      %swap3A_227 = vector.shape_cast %get3A_221 : vector<1x1024xf32> to vector<1x1x1024xf32>
      tpu.vector_store %arg5[%swap3A_222, %swap3A_223, %swap3A_224], %swap3A_227 {strides = array<i32>} : memref<4x512x1024xf32, #tpu.memory_space<vmem>>, vector<1x1x1024xf32>,
      %get3A_228 = arith.index_cast %rem3A_164 : i32 to index
      %get3A_229 = arith.constant 0 : index
      %get3A_230 = arith.constant 0 : index
      %get3A_231 = vector.load %arg4[%get3A_228, %get3A_229, %get3A_230] : memref<4x512x1024xf32, #tpu.memory_space<vmem>>, vector<1x511x1024xf32>
      %get3A_232 = vector.shape_cast %get3A_231 : vector<1x511x1024xf32> to vector<511x1024xf32>
      %swap3A_233 = arith.index_cast %rem3A_164 : i32 to index
      %swap3A_234 = arith.constant 1 : index
      %swap3A_235 = arith.constant 0 : index
      %swap3A_236 = vector.load %arg5[%swap3A_233, %swap3A_234, %swap3A_235] : memref<4x512x1024xf32, #tpu.memory_space<vmem>>, vector<1x511x1024xf32>
      %swap3A_237 = vector.shape_cast %swap3A_236 : vector<1x511x1024xf32> to vector<511x1024xf32>
      %swap3A_238 = vector.shape_cast %get3A_232 : vector<511x1024xf32> to vector<1x511x1024xf32>
      tpu.vector_store %arg5[%swap3A_233, %swap3A_234, %swap3A_235], %swap3A_238 {strides = array<i32>} : memref<4x512x1024xf32, #tpu.memory_space<vmem>>, vector<1x511x1024xf32>,
      %get3A_239 = arith.index_cast %rem3A_164 : i32 to index
      %get3A_240 = arith.constant 511 : index
      %get3A_241 = arith.constant 0 : index
      %get3A_242 = vector.load %arg4[%get3A_239, %get3A_240, %get3A_241] : memref<4x512x1024xf32, #tpu.memory_space<vmem>>, vector<1x1x1024xf32>
      %get3A_243 = vector.shape_cast %get3A_242 : vector<1x1x1024xf32> to vector<1x1024xf32>
      %swap3A_244 = arith.constant 0 : index
      %swap3A_245 = arith.constant 0 : index
      %swap3A_246 = vector.load %arg6[%swap3A_244, %swap3A_245] : memref<1x1024xf32, #tpu.memory_space<vmem>>, vector<1x1024xf32>
      tpu.vector_store %arg6[%swap3A_244, %swap3A_245], %get3A_243 {strides = array<i32>} : memref<1x1024xf32, #tpu.memory_space<vmem>>, vector<1x1024xf32>,
      %eq3A_247 = arith.constant 3 : i32
      %eq3A_248 = arith.cmpi eq, %select_n3A_162, %eq3A_247 : i32
      %convert_element_type3A_249 = arith.extui %eq3A_248 : i1 to i32
      %cond3A_250 = arith.constant 0 : i32
      %cond3A_251 = arith.cmpi ne, %convert_element_type3A_249, %cond3A_250 : i32
      scf.if %cond3A_251 {
        %get3A_312 = arith.index_cast %rem3A_164 : i32 to index
        %get3A_313 = arith.constant 511 : index
        %get3A_314 = arith.constant 0 : index
        %get3A_315 = vector.load %arg4[%get3A_312, %get3A_313, %get3A_314] : memref<4x512x1024xf32, #tpu.memory_space<vmem>>, vector<1x1x1024xf32>
        %get3A_316 = vector.shape_cast %get3A_315 : vector<1x1x1024xf32> to vector<1x1024xf32>
        %swap3A_317 = arith.index_cast %select_n3A : i32 to index
        %swap3A_318 = arith.constant 0 : index
        %swap3A_319 = arith.constant 0 : index
        %swap3A_320 = vector.load %arg7[%swap3A_317, %swap3A_318, %swap3A_319] : memref<32x1x1024xf32, #tpu.memory_space<vmem>>, vector<1x1x1024xf32>
        %swap3A_321 = vector.shape_cast %swap3A_320 : vector<1x1x1024xf32> to vector<1x1024xf32>
        %swap3A_322 = vector.shape_cast %get3A_316 : vector<1x1024xf32> to vector<1x1x1024xf32>
        tpu.vector_store %arg7[%swap3A_317, %swap3A_318, %swap3A_319], %swap3A_322 {strides = array<i32>} : memref<32x1x1024xf32, #tpu.memory_space<vmem>>, vector<1x1x1024xf32>,
      } else {
      }
      %jit3A_252 = arith.constant 4 : i32
      %div3A_253 = arith.divsi %scan3A_132, %jit3A_252 : i32
      %sign3A_254 = arith.constant 0 : i32
      %sign3A_255 = arith.cmpi sgt, %scan3A_132, %sign3A_254 : i32
      %sign3A_256 = arith.extui %sign3A_255 : i1 to i32
      %sign3A_257 = arith.constant 0 : i32
      %sign3A_258 = arith.cmpi slt, %scan3A_132, %sign3A_257 : i32
      %sign3A_259 = arith.extui %sign3A_258 : i1 to i32
      %sign3A_260 = arith.subi %sign3A_256, %sign3A_259 : i32
      %sign3A_261 = arith.constant 0 : i32
      %sign3A_262 = arith.cmpi sgt, %jit3A_252, %sign3A_261 : i32
      %sign3A_263 = arith.extui %sign3A_262 : i1 to i32
      %sign3A_264 = arith.constant 0 : i32
      %sign3A_265 = arith.cmpi slt, %jit3A_252, %sign3A_264 : i32
      %sign3A_266 = arith.extui %sign3A_265 : i1 to i32
      %sign3A_267 = arith.subi %sign3A_263, %sign3A_266 : i32
      %ne3A_268 = arith.cmpi ne, %sign3A_260, %sign3A_267 : i32
      %rem3A_269 = arith.remsi %scan3A_132, %jit3A_252 : i32
      %ne3A_270 = arith.constant 0 : i32
      %ne3A_271 = arith.cmpi ne, %rem3A_269, %ne3A_270 : i32
      %and3A_272 = arith.andi %ne3A_268, %ne3A_271 : i1
      %sub3A_273 = arith.constant 1 : i32
      %sub3A_274 = arith.subi %div3A_253, %sub3A_273 : i32
      %select_n3A_275 = arith.select %and3A_272, %sub3A_274, %div3A_253 : i32
      %jit3A_276 = arith.constant 4 : i32
      %eq3A_277 = arith.constant 0 : i32
      %eq3A_278 = arith.cmpi eq, %jit3A_276, %eq3A_277 : i32
      %jit3A_279 = arith.constant 1 : i32
      %select_n3A_280 = arith.select %eq3A_278, %jit3A_279, %jit3A_276 : i32
      %rem3A_281 = arith.remsi %scan3A_132, %select_n3A_280 : i32
      %ne3A_282 = arith.constant 0 : i32
      %ne3A_283 = arith.cmpi ne, %rem3A_281, %ne3A_282 : i32
      %lt3A_284 = arith.constant 0 : i32
      %lt3A_285 = arith.cmpi slt, %rem3A_281, %lt3A_284 : i32
      %lt3A_286 = arith.constant 0 : i32
      %lt3A_287 = arith.cmpi slt, %select_n3A_280, %lt3A_286 : i32
      %ne3A_288 = arith.xori %lt3A_285, %lt3A_287 : i1
      %and3A_289 = arith.andi %ne3A_288, %ne3A_283 : i1
      %add3A_290 = arith.addi %rem3A_281, %select_n3A_280 : i32
      %select_n3A_291 = arith.select %and3A_289, %add3A_290, %rem3A_281 : i32
      %rem3A_292 = arith.constant 4 : i32
      %rem3A_293 = arith.remsi %scan3A_132, %rem3A_292 : i32
      %mul3A_294 = arith.constant 512 : i32
      %mul3A_295 = arith.muli %select_n3A_291, %mul3A_294 : i32
      %dma_start3A_296 = tpu.memref_slice %arg9[%rem3A_293] : memref<4x!tpu.dma_semaphore, #tpu.memory_space<semaphore_mem>> -> memref<1x!tpu.dma_semaphore, #tpu.memory_space<semaphore_mem>>
      %dma_start3A_297 = tpu.memref_squeeze %dma_start3A_296 : memref<1x!tpu.dma_semaphore, #tpu.memory_space<semaphore_mem>> -> memref<!tpu.dma_semaphore, #tpu.memory_space<semaphore_mem>>
      %dma_start3A_298 = arith.constant 0 : i32
      %dma_start3A_299 = tpu.memref_slice %arg2[%select_n3A_275, %mul3A_295, %dma_start3A_298] : memref<32x2049x1024xf32, #tpu.memory_space<hbm>> -> memref<1x512x1024xf32, #tpu.memory_space<hbm>>
      %dma_start3A_300 = tpu.memref_squeeze %dma_start3A_299 : memref<1x512x1024xf32, #tpu.memory_space<hbm>> -> memref<512x1024xf32, #tpu.memory_space<hbm>>
      %dma_start3A_301 = arith.constant 0 : i32
      %dma_start3A_302 = arith.constant 0 : i32
      %dma_start3A_303 = tpu.memref_slice %arg5[%rem3A_293, %dma_start3A_301, %dma_start3A_302] : memref<4x512x1024xf32, #tpu.memory_space<vmem>> -> memref<1x512x1024xf32, #tpu.memory_space<vmem>>
      %dma_start3A_304 = tpu.memref_squeeze %dma_start3A_303 : memref<1x512x1024xf32, #tpu.memory_space<vmem>> -> memref<512x1024xf32, #tpu.memory_space<vmem>>
      tpu.enqueue_dma source(%dma_start3A_304 : memref<512x1024xf32, #tpu.memory_space<vmem>>) target(%dma_start3A_300 : memref<512x1024xf32, #tpu.memory_space<hbm>>) target_semaphore(%dma_start3A_297 : memref<!tpu.dma_semaphore, #tpu.memory_space<semaphore_mem>>)
      %add3A_305 = arith.constant 4 : i32
      %add3A_306 = arith.addi %scan3A_132, %add3A_305 : i32
      %lt3A_307 = arith.constant 128 : i32
      %lt3A_308 = arith.cmpi slt, %add3A_306, %lt3A_307 : i32
      %convert_element_type3A_309 = arith.extui %lt3A_308 : i1 to i32
      %cond3A_310 = arith.constant 0 : i32
      %cond3A_311 = arith.cmpi ne, %convert_element_type3A_309, %cond3A_310 : i32
      scf.if %cond3A_311 {
        %add3A_312 = arith.constant 4 : i32
        %add3A_313 = arith.addi %scan3A_132, %add3A_312 : i32
        %jit3A_314 = arith.constant 4 : i32
        %div3A_315 = arith.divsi %add3A_313, %jit3A_314 : i32
        %sign3A_316 = arith.constant 0 : i32
        %sign3A_317 = arith.cmpi sgt, %add3A_313, %sign3A_316 : i32
        %sign3A_318 = arith.extui %sign3A_317 : i1 to i32
        %sign3A_319 = arith.constant 0 : i32
        %sign3A_320 = arith.cmpi slt, %add3A_313, %sign3A_319 : i32
        %sign3A_321 = arith.extui %sign3A_320 : i1 to i32
        %sign3A_322 = arith.subi %sign3A_318, %sign3A_321 : i32
        %sign3A_323 = arith.constant 0 : i32
        %sign3A_324 = arith.cmpi sgt, %jit3A_314, %sign3A_323 : i32
        %sign3A_325 = arith.extui %sign3A_324 : i1 to i32
        %sign3A_326 = arith.constant 0 : i32
        %sign3A_327 = arith.cmpi slt, %jit3A_314, %sign3A_326 : i32
        %sign3A_328 = arith.extui %sign3A_327 : i1 to i32
        %sign3A_329 = arith.subi %sign3A_325, %sign3A_328 : i32
        %ne3A_330 = arith.cmpi ne, %sign3A_322, %sign3A_329 : i32
        %rem3A_331 = arith.remsi %add3A_313, %jit3A_314 : i32
        %ne3A_332 = arith.constant 0 : i32
        %ne3A_333 = arith.cmpi ne, %rem3A_331, %ne3A_332 : i32
        %and3A_334 = arith.andi %ne3A_330, %ne3A_333 : i1
        %sub3A_335 = arith.constant 1 : i32
        %sub3A_336 = arith.subi %div3A_315, %sub3A_335 : i32
        %select_n3A_337 = arith.select %and3A_334, %sub3A_336, %div3A_315 : i32
        %jit3A_338 = arith.constant 4 : i32
        %eq3A_339 = arith.constant 0 : i32
        %eq3A_340 = arith.cmpi eq, %jit3A_338, %eq3A_339 : i32
        %jit3A_341 = arith.constant 1 : i32
        %select_n3A_342 = arith.select %eq3A_340, %jit3A_341, %jit3A_338 : i32
        %rem3A_343 = arith.remsi %add3A_313, %select_n3A_342 : i32
        %ne3A_344 = arith.constant 0 : i32
        %ne3A_345 = arith.cmpi ne, %rem3A_343, %ne3A_344 : i32
        %lt3A_346 = arith.constant 0 : i32
        %lt3A_347 = arith.cmpi slt, %rem3A_343, %lt3A_346 : i32
        %lt3A_348 = arith.constant 0 : i32
        %lt3A_349 = arith.cmpi slt, %select_n3A_342, %lt3A_348 : i32
        %ne3A_350 = arith.xori %lt3A_347, %lt3A_349 : i1
        %and3A_351 = arith.andi %ne3A_350, %ne3A_345 : i1
        %add3A_352 = arith.addi %rem3A_343, %select_n3A_342 : i32
        %select_n3A_353 = arith.select %and3A_351, %add3A_352, %rem3A_343 : i32
        %rem3A_354 = arith.constant 4 : i32
        %rem3A_355 = arith.remsi %add3A_313, %rem3A_354 : i32
        %mul3A_356 = arith.constant 512 : i32
        %mul3A_357 = arith.muli %select_n3A_353, %mul3A_356 : i32
        %dma_start3A_358 = tpu.memref_slice %arg8[%rem3A_355] : memref<4x!tpu.dma_semaphore, #tpu.memory_space<semaphore_mem>> -> memref<1x!tpu.dma_semaphore, #tpu.memory_space<semaphore_mem>>
        %dma_start3A_359 = tpu.memref_squeeze %dma_start3A_358 : memref<1x!tpu.dma_semaphore, #tpu.memory_space<semaphore_mem>> -> memref<!tpu.dma_semaphore, #tpu.memory_space<semaphore_mem>>
        %dma_start3A_360 = arith.constant 0 : i32
        %dma_start3A_361 = arith.constant 0 : i32
        %dma_start3A_362 = tpu.memref_slice %arg4[%rem3A_355, %dma_start3A_360, %dma_start3A_361] : memref<4x512x1024xf32, #tpu.memory_space<vmem>> -> memref<1x512x1024xf32, #tpu.memory_space<vmem>>
        %dma_start3A_363 = tpu.memref_squeeze %dma_start3A_362 : memref<1x512x1024xf32, #tpu.memory_space<vmem>> -> memref<512x1024xf32, #tpu.memory_space<vmem>>
        %dma_start3A_364 = arith.constant 0 : i32
        %dma_start3A_365 = tpu.memref_slice %arg0[%select_n3A_337, %mul3A_357, %dma_start3A_364] : memref<32x2048x1024xf32, #tpu.memory_space<hbm>> -> memref<1x512x1024xf32, #tpu.memory_space<hbm>>
        %dma_start3A_366 = tpu.memref_squeeze %dma_start3A_365 : memref<1x512x1024xf32, #tpu.memory_space<hbm>> -> memref<512x1024xf32, #tpu.memory_space<hbm>>
        tpu.enqueue_dma source(%dma_start3A_366 : memref<512x1024xf32, #tpu.memory_space<hbm>>) target(%dma_start3A_363 : memref<512x1024xf32, #tpu.memory_space<vmem>>) target_semaphore(%dma_start3A_359 : memref<!tpu.dma_semaphore, #tpu.memory_space<semaphore_mem>>)
      } else {
      }
    }
    %scan3A_68 = arith.constant 128 : i32
    %rem3A_69 = arith.constant 124 : i32
    %rem3A_70 = arith.constant 4 : i32
    %rem3A_71 = arith.remsi %rem3A_69, %rem3A_70 : i32
    %dma_wait3A = arith.constant 31 : i32
    %dma_wait3A_72 = tpu.memref_slice %arg9[%rem3A_71] : memref<4x!tpu.dma_semaphore, #tpu.memory_space<semaphore_mem>> -> memref<1x!tpu.dma_semaphore, #tpu.memory_space<semaphore_mem>>
    %dma_wait3A_73 = tpu.memref_squeeze %dma_wait3A_72 : memref<1x!tpu.dma_semaphore, #tpu.memory_space<semaphore_mem>> -> memref<!tpu.dma_semaphore, #tpu.memory_space<semaphore_mem>>
    %dma_wait3A_74 = arith.constant 0 : i32
    %dma_wait3A_75 = arith.constant 0 : i32
    %dma_wait3A_76 = tpu.memref_slice %arg2[%dma_wait3A, %dma_wait3A_74, %dma_wait3A_75] : memref<32x2049x1024xf32, #tpu.memory_space<hbm>> -> memref<1x512x1024xf32, #tpu.memory_space<hbm>>
    %dma_wait3A_77 = tpu.memref_squeeze %dma_wait3A_76 : memref<1x512x1024xf32, #tpu.memory_space<hbm>> -> memref<512x1024xf32, #tpu.memory_space<hbm>>
    %dma_wait3A_78 = arith.constant 0 : i32
    %dma_wait3A_79 = arith.constant 0 : i32
    %dma_wait3A_80 = tpu.memref_slice %arg5[%rem3A_71, %dma_wait3A_78, %dma_wait3A_79] : memref<4x512x1024xf32, #tpu.memory_space<vmem>> -> memref<1x512x1024xf32, #tpu.memory_space<vmem>>
    %dma_wait3A_81 = tpu.memref_squeeze %dma_wait3A_80 : memref<1x512x1024xf32, #tpu.memory_space<vmem>> -> memref<512x1024xf32, #tpu.memory_space<vmem>>
    tpu.wait_dma2 semaphore(%dma_wait3A_73 : memref<!tpu.dma_semaphore, #tpu.memory_space<semaphore_mem>>) src(%dma_wait3A_81 : memref<512x1024xf32, #tpu.memory_space<vmem>>) dst(%dma_wait3A_77 : memref<512x1024xf32, #tpu.memory_space<hbm>>)
    %rem3A_82 = arith.constant 125 : i32
    %rem3A_83 = arith.constant 4 : i32
    %rem3A_84 = arith.remsi %rem3A_82, %rem3A_83 : i32
    %dma_wait3A_85 = arith.constant 31 : i32
    %dma_wait3A_86 = tpu.memref_slice %arg9[%rem3A_84] : memref<4x!tpu.dma_semaphore, #tpu.memory_space<semaphore_mem>> -> memref<1x!tpu.dma_semaphore, #tpu.memory_space<semaphore_mem>>
    %dma_wait3A_87 = tpu.memref_squeeze %dma_wait3A_86 : memref<1x!tpu.dma_semaphore, #tpu.memory_space<semaphore_mem>> -> memref<!tpu.dma_semaphore, #tpu.memory_space<semaphore_mem>>
    %dma_wait3A_88 = arith.constant 512 : i32
    %dma_wait3A_89 = arith.constant 0 : i32
    %dma_wait3A_90 = tpu.memref_slice %arg2[%dma_wait3A_85, %dma_wait3A_88, %dma_wait3A_89] : memref<32x2049x1024xf32, #tpu.memory_space<hbm>> -> memref<1x512x1024xf32, #tpu.memory_space<hbm>>
    %dma_wait3A_91 = tpu.memref_squeeze %dma_wait3A_90 : memref<1x512x1024xf32, #tpu.memory_space<hbm>> -> memref<512x1024xf32, #tpu.memory_space<hbm>>
    %dma_wait3A_92 = arith.constant 0 : i32
    %dma_wait3A_93 = arith.constant 0 : i32
    %dma_wait3A_94 = tpu.memref_slice %arg5[%rem3A_84, %dma_wait3A_92, %dma_wait3A_93] : memref<4x512x1024xf32, #tpu.memory_space<vmem>> -> memref<1x512x1024xf32, #tpu.memory_space<vmem>>
    %dma_wait3A_95 = tpu.memref_squeeze %dma_wait3A_94 : memref<1x512x1024xf32, #tpu.memory_space<vmem>> -> memref<512x1024xf32, #tpu.memory_space<vmem>>
    tpu.wait_dma2 semaphore(%dma_wait3A_87 : memref<!tpu.dma_semaphore, #tpu.memory_space<semaphore_mem>>) src(%dma_wait3A_95 : memref<512x1024xf32, #tpu.memory_space<vmem>>) dst(%dma_wait3A_91 : memref<512x1024xf32, #tpu.memory_space<hbm>>)
    %rem3A_96 = arith.constant 126 : i32
    %rem3A_97 = arith.constant 4 : i32
    %rem3A_98 = arith.remsi %rem3A_96, %rem3A_97 : i32
    %dma_wait3A_99 = arith.constant 31 : i32
    %dma_wait3A_100 = tpu.memref_slice %arg9[%rem3A_98] : memref<4x!tpu.dma_semaphore, #tpu.memory_space<semaphore_mem>> -> memref<1x!tpu.dma_semaphore, #tpu.memory_space<semaphore_mem>>
    %dma_wait3A_101 = tpu.memref_squeeze %dma_wait3A_100 : memref<1x!tpu.dma_semaphore, #tpu.memory_space<semaphore_mem>> -> memref<!tpu.dma_semaphore, #tpu.memory_space<semaphore_mem>>
    %dma_wait3A_102 = arith.constant 1024 : i32
    %dma_wait3A_103 = arith.constant 0 : i32
    %dma_wait3A_104 = tpu.memref_slice %arg2[%dma_wait3A_99, %dma_wait3A_102, %dma_wait3A_103] : memref<32x2049x1024xf32, #tpu.memory_space<hbm>> -> memref<1x512x1024xf32, #tpu.memory_space<hbm>>
    %dma_wait3A_105 = tpu.memref_squeeze %dma_wait3A_104 : memref<1x512x1024xf32, #tpu.memory_space<hbm>> -> memref<512x1024xf32, #tpu.memory_space<hbm>>
    %dma_wait3A_106 = arith.constant 0 : i32
    %dma_wait3A_107 = arith.constant 0 : i32
    %dma_wait3A_108 = tpu.memref_slice %arg5[%rem3A_98, %dma_wait3A_106, %dma_wait3A_107] : memref<4x512x1024xf32, #tpu.memory_space<vmem>> -> memref<1x512x1024xf32, #tpu.memory_space<vmem>>
    %dma_wait3A_109 = tpu.memref_squeeze %dma_wait3A_108 : memref<1x512x1024xf32, #tpu.memory_space<vmem>> -> memref<512x1024xf32, #tpu.memory_space<vmem>>
    tpu.wait_dma2 semaphore(%dma_wait3A_101 : memref<!tpu.dma_semaphore, #tpu.memory_space<semaphore_mem>>) src(%dma_wait3A_109 : memref<512x1024xf32, #tpu.memory_space<vmem>>) dst(%dma_wait3A_105 : memref<512x1024xf32, #tpu.memory_space<hbm>>)
    %rem3A_110 = arith.constant 127 : i32
    %rem3A_111 = arith.constant 4 : i32
    %rem3A_112 = arith.remsi %rem3A_110, %rem3A_111 : i32
    %dma_wait3A_113 = arith.constant 31 : i32
    %dma_wait3A_114 = tpu.memref_slice %arg9[%rem3A_112] : memref<4x!tpu.dma_semaphore, #tpu.memory_space<semaphore_mem>> -> memref<1x!tpu.dma_semaphore, #tpu.memory_space<semaphore_mem>>
    %dma_wait3A_115 = tpu.memref_squeeze %dma_wait3A_114 : memref<1x!tpu.dma_semaphore, #tpu.memory_space<semaphore_mem>> -> memref<!tpu.dma_semaphore, #tpu.memory_space<semaphore_mem>>
    %dma_wait3A_116 = arith.constant 1536 : i32
    %dma_wait3A_117 = arith.constant 0 : i32
    %dma_wait3A_118 = tpu.memref_slice %arg2[%dma_wait3A_113, %dma_wait3A_116, %dma_wait3A_117] : memref<32x2049x1024xf32, #tpu.memory_space<hbm>> -> memref<1x512x1024xf32, #tpu.memory_space<hbm>>
    %dma_wait3A_119 = tpu.memref_squeeze %dma_wait3A_118 : memref<1x512x1024xf32, #tpu.memory_space<hbm>> -> memref<512x1024xf32, #tpu.memory_space<hbm>>
    %dma_wait3A_120 = arith.constant 0 : i32
    %dma_wait3A_121 = arith.constant 0 : i32
    %dma_wait3A_122 = tpu.memref_slice %arg5[%rem3A_112, %dma_wait3A_120, %dma_wait3A_121] : memref<4x512x1024xf32, #tpu.memory_space<vmem>> -> memref<1x512x1024xf32, #tpu.memory_space<vmem>>
    %dma_wait3A_123 = tpu.memref_squeeze %dma_wait3A_122 : memref<1x512x1024xf32, #tpu.memory_space<vmem>> -> memref<512x1024xf32, #tpu.memory_space<vmem>>
    tpu.wait_dma2 semaphore(%dma_wait3A_115 : memref<!tpu.dma_semaphore, #tpu.memory_space<semaphore_mem>>) src(%dma_wait3A_123 : memref<512x1024xf32, #tpu.memory_space<vmem>>) dst(%dma_wait3A_119 : memref<512x1024xf32, #tpu.memory_space<hbm>>)
    %dma_start3A_124 = arith.constant 0 : i32
    %dma_start3A_125 = arith.constant 2048 : i32
    %dma_start3A_126 = arith.constant 0 : i32
    %dma_start3A_127 = tpu.memref_slice %arg2[%dma_start3A_124, %dma_start3A_125, %dma_start3A_126] : memref<32x2049x1024xf32, #tpu.memory_space<hbm>> -> memref<32x1x1024xf32, #tpu.memory_space<hbm>>
    tpu.enqueue_dma source(%arg7 : memref<32x1x1024xf32, #tpu.memory_space<vmem>>) target(%dma_start3A_127 : memref<32x1x1024xf32, #tpu.memory_space<hbm>>) target_semaphore(%arg10 : memref<!tpu.dma_semaphore, #tpu.memory_space<semaphore_mem>>)
    %dma_wait3A_128 = arith.constant 0 : i32
    %dma_wait3A_129 = arith.constant 2048 : i32
    %dma_wait3A_130 = arith.constant 0 : i32
    %dma_wait3A_131 = tpu.memref_slice %arg2[%dma_wait3A_128, %dma_wait3A_129, %dma_wait3A_130] : memref<32x2049x1024xf32, #tpu.memory_space<hbm>> -> memref<32x1x1024xf32, #tpu.memory_space<hbm>>
    tpu.wait_dma2 semaphore(%arg10 : memref<!tpu.dma_semaphore, #tpu.memory_space<semaphore_mem>>) src(%arg7 : memref<32x1x1024xf32, #tpu.memory_space<vmem>>) dst(%dma_wait3A_131 : memref<32x1x1024xf32, #tpu.memory_space<hbm>>)
    return
  }
}

module attributes {stable_mosaic.version = 14 : i64} {
  func.func @_merge_body(%arg0: memref<32x2049x1024xf32, #tpu.memory_space<hbm>>, %arg1: memref<32x1x1024xf32, #tpu.memory_space<vmem>>, %arg2: memref<32x2049x1024xf32, #tpu.memory_space<hbm>>, %arg3: memref<!tpu.dma_semaphore, #tpu.memory_space<semaphore_mem>>) attributes {dimension_semantics = [], scalar_prefetch = 0 : i64, scratch_operands = 1 : i64, tpu.core_type = #tpu.core_type<tc>} {
    %dma_start3A = arith.constant 0 : i32
    %dma_start3A_0 = arith.constant 0 : i32
    %dma_start3A_1 = arith.constant 0 : i32
    %dma_start3A_2 = tpu.memref_slice %arg2[%dma_start3A, %dma_start3A_0, %dma_start3A_1] : memref<32x2049x1024xf32, #tpu.memory_space<hbm>> -> memref<32x1x1024xf32, #tpu.memory_space<hbm>>
    tpu.enqueue_dma source(%arg1 : memref<32x1x1024xf32, #tpu.memory_space<vmem>>) target(%dma_start3A_2 : memref<32x1x1024xf32, #tpu.memory_space<hbm>>) target_semaphore(%arg3 : memref<!tpu.dma_semaphore, #tpu.memory_space<semaphore_mem>>)
    %dma_wait3A = arith.constant 0 : i32
    %dma_wait3A_3 = arith.constant 0 : i32
    %dma_wait3A_4 = arith.constant 0 : i32
    %dma_wait3A_5 = tpu.memref_slice %arg2[%dma_wait3A, %dma_wait3A_3, %dma_wait3A_4] : memref<32x2049x1024xf32, #tpu.memory_space<hbm>> -> memref<32x1x1024xf32, #tpu.memory_space<hbm>>
    tpu.wait_dma2 semaphore(%arg3 : memref<!tpu.dma_semaphore, #tpu.memory_space<semaphore_mem>>) src(%arg1 : memref<32x1x1024xf32, #tpu.memory_space<vmem>>) dst(%dma_wait3A_5 : memref<32x1x1024xf32, #tpu.memory_space<hbm>>)
    return
  }
}

</mosaic_0001>

<sc_bundles>
// kernel: kernel.5.cloned.1.call-start
scs
__scs_entry_jumppad:
0x0: {  	(pc) =	sbr.rel $0x88, $3  }
0x1: {  	(tag) =	ssettag $0x0;
	lr =	simm.s32 $0x1  }
0x2: {  	[smem:$0x3F9D] =	sst lr;
	_ =	strace $0xD0000000  }
0x3: {  	_ = 	snop  }
0x4: {  	_ = 	snop  }
0x5: {  	_ = 	snop  }
0x6: {  	_ = 	snop  }
0x7: {  	_ = 	snop  }
__scs_overlays_trampoline_lowered:
0x8: {  	[smem:$0x3FAC] =	sst s0  }
0x9: {  	[smem:$0x3FAD] =	sst s1  }
0xa: {  	[smem:$0x3FAE] =	sst s2  }
0xb: {  	[smem:$0x3FAF] =	sst s3  }
0xc: {  	[smem:$0x3FB0] =	sst s4  }
0xd: {  	[smem:$0x3FB1] =	sst s5  }
0xe: {  	[smem:$0x3FB2] =	sst s6  }
0xf: {  	[smem:$0x3FB3] =	sst s7  }
0x10: {  	[smem:$0x3FB4] =	sst s8  }
0x11: {  	[smem:$0x3FB5] =	sst s9;
	s0 =	simm.s32 @!p0 $0x0  }
0x12: {  	s1 =	sld [smem:$0x3F9B];
	s0 =	simm.s32 @p0 $0x1  }
0x13: {  	[smem:$0x3FB6] =	sst s0;
	s0 =	simm.s32 @!p1 $0x0  }
0x14: {  	s2 =	sld [smem:$0x3F9A];
	s0 =	simm.s32 @p1 $0x1  }
0x15: {  	[smem:$0x3FB7] =	sst s0;
	s0 =	simm.s32 @!p2 $0x0  }
0x16: {  	s3 =	sld [smem:$0x3FDB];
	s0 =	simm.s32 @p2 $0x1  }
0x17: {  	s4 =	simm.s32 $0x1BF5;
	[smem:$0x3FB9] =	sst s0  }
0x18: {  	s0 =	sld [smem:$0x3F9C];
	_ =	swait.ge [sflag:s4], $0x0  }
0x19: {  	s7 =	sld [smem:$0x3F9D]  }
0x1a: {  	s8 =	sadd.s32 $0xFFFFE003, lr  }
0x1b: {  	s9 =	sadd.s32 $0xFFFFFEF7, lr;
	s5 =	simm.s32 $0xFFFFFFFF;
	p2 =	slt.u32 s8, $0xFFFFF086  }
0x1c: {  	p1 =	slt.u32 s9, $0xF7A;
	s5 =	simm.s32 @!p2 $0x0  }
0x1d: {  	s5 =	simm.s32 @p1 $0x1;
	p0 =	seq.s32 s7, s2  }
0x1e: {  	s7 =	smul.u32 @!p0 $0xF7A, s2;
	p2 =	seq.s32 @!p0 s5, $0x0  }
0x1f: {  	s9 =	smul.u32 $0xF7A, s1;
	s8 =	simm.s32 @!p0 $0x1BF5;
	p2 =	por !p2, p0  }
0x20: {  	[sflag:s8] =	ssyncset.s32 @!p0 $0xFFFFF086;
	s6 =	sadd.s32 @!p0 s3, s7;
	s7 =	simm.s32 @!p0 $0x108  }
0x21: {  	s3 =	sadd.s32 s3, s9;
	s6 =	sadd.s32 @!p0 $0x88, s6;
	s7 =	simm.s32 @p2 $0x1082  }
0x22: {  	[simem:s7], [sflag:s8] =	dma.local @!p0 [hbm:s6], $0xF7A  }
0x23: {  	s9 =	sor.u32 $0xD0000000, s2;
	s6 =	simm.s32 $0x108;
	_ =	swait.ge @!p0 [sflag:s8], $0x0  }
0x24: {  	s3 =	sadd.s32 $0x88, s3;
	s6 =	simm.s32 @!p1 $0x1082;
	[sflag:s4] =	ssyncset.s32 $0xFFFFF086  }
0x25: {  	[simem:s6], [sflag:s4] =	dma.local [hbm:s3], $0xF7A  }
0x26: {  	[smem:$0x3F9D] =	sst s1;
	(tag) =	ssettag s2;
	_ =	strace s9  }
0x27: {  	s1 =	sld [smem:$0x3FAD]  }
0x28: {  	s2 =	sld [smem:$0x3FAE]  }
0x29: {  	s4 =	sld [smem:$0x3FB0]  }
0x2a: {  	p0 =	seq.s32 s5, $0x0;
	s5 =	sld [smem:$0x3FB1]  }
0x2b: {  	s6 =	sld [smem:$0x3FB2]  }
0x2c: {  	s7 =	sld [smem:$0x3FB3]  }
0x2d: {  	s3 =	simm.s32 $0x108;
	s8 =	sld [smem:$0x3FB4]  }
0x2e: {  	s3 =	simm.s32 @!p0 $0x1082;
	s9 =	sld [smem:$0x3FB5]  }
0x2f: {  	lr =	sadd.s32 s0, s3;
	s0 =	sld [smem:$0x3FAC]  }
0x30: {  	s3 =	sld [smem:$0x3FAF]  }
0x31: {  	[smem:$0x3FB8] =	sst s10  }
0x32: {  	s10 =	sld [smem:$0x3FB6];
	_ =	sdelay $0x3  }
0x33: {  	p0 =	seq.s32 s10, $0x1;
	s10 =	sld [smem:$0x3FB8];
	_ =	sdelay $0x3  }
0x34: {  	[smem:$0x3FB8] =	sst s10  }
0x35: {  	s10 =	sld [smem:$0x3FB7];
	_ =	sdelay $0x3  }
0x36: {  	p1 =	seq.s32 s10, $0x1;
	s10 =	sld [smem:$0x3FB8];
	_ =	sdelay $0x3  }
0x37: {  	[smem:$0x3FB8] =	sst s10  }
0x38: {  	s10 =	sld [smem:$0x3FB9]  }
0x39: {  	_ = 	snop;
	(pc) =	sbr.ind lr, $3  }
0x3a: {  	_ = 	snop  }
0x3b: {  	_ = 	snop  }
0x3c: {  	p2 =	seq.s32 s10, $0x1;
	s10 =	sld [smem:$0x3FB8]  }
0x3d: {  	_ =	shalt  }
0x3e: {  	_ =	shalt  }
0x3f: {  	_ =	shalt  }
0x40: {  	_ =	shalt  }
0x41: {  	_ =	shalt  }
0x42: {  	_ =	shalt  }
0x43: {  	_ =	shalt  }
0x44: {  	_ =	shalt  }
0x45: {  	_ =	shalt  }
0x46: {  	_ =	shalt  }
0x47: {  	_ =	shalt  }
0x48: {  	_ =	shalt  }
0x49: {  	_ =	shalt  }
0x4a: {  	_ =	shalt  }
0x4b: {  	_ =	shalt  }
0x4c: {  	_ =	shalt  }
0x4d: {  	_ =	shalt  }
0x4e: {  	_ =	shalt  }
0x4f: {  	_ =	shalt  }
0x50: {  	_ =	shalt  }
0x51: {  	_ =	shalt  }
0x52: {  	_ =	shalt  }
0x53: {  	_ =	shalt  }
0x54: {  	_ =	shalt  }
0x55: {  	_ =	shalt  }
0x56: {  	_ =	shalt  }
0x57: {  	_ =	shalt  }
0x58: {  	_ =	shalt  }
0x59: {  	_ =	shalt  }
0x5a: {  	_ =	shalt  }
0x5b: {  	_ =	shalt  }
0x5c: {  	_ =	shalt  }
0x5d: {  	_ =	shalt  }
0x5e: {  	_ =	shalt  }
0x5f: {  	_ =	shalt  }
0x60: {  	_ =	shalt  }
0x61: {  	_ =	shalt  }
0x62: {  	_ =	shalt  }
0x63: {  	_ =	shalt  }
0x64: {  	_ =	shalt  }
0x65: {  	_ =	shalt  }
0x66: {  	_ =	shalt  }
0x67: {  	_ =	shalt  }
0x68: {  	_ =	shalt  }
0x69: {  	_ =	shalt  }
0x6a: {  	_ =	shalt  }
0x6b: {  	_ =	shalt  }
0x6c: {  	_ =	shalt  }
0x6d: {  	_ =	shalt  }
0x6e: {  	_ =	shalt  }
0x6f: {  	_ =	shalt  }
0x70: {  	_ =	shalt  }
0x71: {  	_ =	shalt  }
0x72: {  	_ =	shalt  }
0x73: {  	_ =	shalt  }
0x74: {  	_ =	shalt  }
0x75: {  	_ =	shalt  }
0x76: {  	_ =	shalt  }
0x77: {  	_ =	shalt  }
0x78: {  	_ =	shalt  }
0x79: {  	_ =	shalt  }
0x7a: {  	_ =	shalt  }
0x7b: {  	_ =	shalt  }
0x7c: {  	_ =	shalt  }
0x7d: {  	_ =	shalt  }
0x7e: {  	_ =	shalt  }
0x7f: {  	_ =	shalt  }
0x80: {  	_ =	shalt  }
0x81: {  	_ =	shalt  }
0x82: {  	_ =	shalt  }
0x83: {  	_ =	shalt  }
0x84: {  	_ =	shalt  }
0x85: {  	_ =	shalt  }
0x86: {  	_ =	shalt  }
0x87: {  	_ =	shalt  }
.Lfunc_end0:
.L_simem_size_0:
called_computation_lowered:
.L_overlay_start_0:
0x88: {  	s2 =	sld [smem:$0x3FD9]  }
0x89: {  	s3 =	sld [smem:$0x3FFE];
	_ =	sdelay $0x1  }
0x8a: {  	s1 =	srdreg.scid  }
0x8b: {  	s0 =	sand.u32 $0x1, s1  }
0x8c: {  	s15 =	sshll.u32 s0, $0xA;
	s2 =	sadd.s32 s3, s2  }
0x8d: {  	s2 =	sadd.s32 s2, s15  }
0x8e: {  	[smem:$0x3FC4] =	sst s2  }
0x8f: {  	_ = 	snop  }
0x90: {  	s2 =	sld [smem:$0x3FD0];
	_ =	sdelay $0x1  }
0x91: {  	s16 =	sld [smem:$0x3FC8]  }
0x92: {  	s5 =	simm.s32 $0xA;
	s6 =	simm.s32 $0x10;
	s4 =	sld [smem:$0x3FC6]  }
0x93: {  	[smem:s6], [sflag:s5] =	dma.local [hbm:s2], $0x1  }
0x94: {  	_ =	swait.eq [sflag:s5], $0x1  }
0x95: {  	[sflag:s5] =	ssyncset.done $0x0  }
0x96: {  	[sflag:s5] =	ssyncadd.s32 $0xFFFFFFFF  }
0x97: {  	s17 =	sld [smem:$0x10];
	(tm) =	ssettm $0x1  }
0x98: {  	s18 =	sld [smem:$0x3FFB];
	_ =	sdelay $0x3  }
0x99: {  	_ =	strace s18  }
0x9a: {  	s5 =	sld [smem:$0x3FFC];
	_ =	sdelay $0x3  }
0x9b: {  	_ =	strace s5  }
0x9c: {  	s5 =	sld [smem:$0x3FFD];
	_ =	sdelay $0x3  }
0x9d: {  	_ =	strace s5  }
0x9e: {  	_ =	strace $0x8FFFFFFF  }
0x9f: {  	s19 =	sld [smem:$0x3FDB];
	_ =	sdelay $0x1  }
0xa0: {  	s20 =	simm.s32 $_scs_section_size  }
0xa1: {  	s7 =	simm.s32 $_size__tile_overlayer_lowered;
	s8 =	simm.s32 $_tile_overlayer_lowered  }
0xa2: {  	s23 =	simm.s32 $0x1BFF;
	s22 =	sshll.u32 s8, $0x1;
	s5 =	sadd.s32 s20, s19  }
0xa3: {  	s9 =	simm.s32 $0x0;
	s21 =	sshll.u32 s7, $0x1;
	s7 =	sadd.s32 s22, s5  }
0xa4: {  	[timem:s9], [sflag:s23] =	dma.local [hbm:s7], s21  }
0xa5: {  	_ =	swait.ge [sflag:s23], s21  }
0xa6: {  	s6 =	ssub.s32 $0x0, s21;
	[sflag:s23] =	ssyncset.done $0x0  }
0xa7: {  	[sflag:s23] =	ssyncadd.s32 s6;
	_ =	sdelay $0x1  }
0xa8: {  	s24 =	simm.s32 $0x1B8B  }
0xa9: {  	_ =	swait.ge [sflag:s24], $0x1  }
0xaa: {  	[sflag:s24] =	ssyncset.done $0x0  }
0xab: {  	s25 =	simm.s32 $0x1B8E;
	[sflag:s24] =	ssyncadd.s32 $0xFFFFFFFF  }
0xac: {  	s26 =	simm.s32 $execute0_lowered;
	[smem:$0x3FD2] =	sst s25  }
0xad: {  	s6 =	sshll.u32 s26, $0x1;
	_ =	strace $0x80000046;
	[dreg:$0x1] =	wrdreg $0xFFFFFFFF  }
0xae: {  	s28 =	simm.s32 $_size_execute0_lowered;
	s5 =	sadd.s32 s5, s6;
	[dreg:$0x0] =	wrdreg $0x0  }
0xaf: {  	s6 =	sshll.u32 s28, $0x1;
	[dreg:$0x2] =	wrdreg s5  }
0xb0: {  	[dreg:$0x3] =	wrdreg s6  }
0xb1: {  	[dreg:$0x4] =	wrdreg $0xC0  }
0xb2: {  	_ =	task [dreg:s9], $0x5FFFF  }
0xb3: {  	[dreg:$0x1] =	wrdreg $0xFFFFFFFF  }
0xb4: {  	[dreg:$0x0] =	wrdreg $0x60  }
0xb5: {  	[dreg:$0x2] =	wrdreg s16  }
0xb6: {  	[dreg:$0x3] =	wrdreg s4  }
0xb7: {  	[dreg:$0x4] =	wrdreg s17  }
0xb8: {  	[dreg:$0x5] =	wrdreg $0x9  }
0xb9: {  	_ =	task.clear_ibuf [dreg:s9], $0x6FFFF;
	_ =	strace $0x90000046  }
0xba: {  	s29 =	simm.s32 $0x9;
	_ =	strace $0x80000048  }
0xbb: {  	_ =	swait.ge [sflag:s29], $0x1  }
0xbc: {  	[sflag:s29] =	ssyncadd.s32 $0xFFFFFFFF  }
0xbd: {  	_ =	strace $0x90000048  }
0xbe: {  	_ =	sfence  }
0xbf: {  	s30 =	sld [smem:$0x0];
	_ =	sdelay $0x2  }
0xc0: {  	s31 =	sshll.u32 s1, $0xD;
	s1 =	sshrl.u32 s1, $0x2  }
0xc1: {  	s3 =	sand.u32 $0x4000, s31;
	s1 =	sadd.s32 s1, s30  }
0xc2: {  	s0 =	sor.u32 s3, s0;
	s1 =	sshll.u32 s1, $0x11  }
0xc3: {  	s0 =	sor.u32 s1, s0  }
0xc4: {  	s0 =	sadd.s32 $0x8F2B, s0  }
0xc5: {  	[sflag:s0] =	ssyncadd.remote.s32 $0x1  }
0xc6: {  	_ =	sfence.sel $0xFFFF  }
0xc7: {  	[dreg:$0x0] =	wrdreg $0xFFFFFFFF;
	(pc) =	sbr.abs _section_cstart, $3  }
0xc8: {  	[dreg:$0x1] =	wrdreg $0xFFFFFFFF  }
0xc9: {  	_ =	task.clear_ibuf [dreg:s9], $0x2FFFF;
	_ =	strace $0x9FFFFFFF  }
0xca: {  	(tm) =	ssettm $0x7FFFFFFF  }
0xcb: {  	_ =	shalt  }
tec
execute0_lowered:
.L_overlay_start_1:
0x0: {  	(tag) =	ssettag $0x1  }
0x1: {  	s1 =	stileid.u32  }
0x2: {  	p0 =	sgt.u32 s1, $0x1  }
.Ltmp0:
0x3: {  	s4 =	rddreg [dreg:$0x0];
	(pc) =	sbr.rel @p0 .LBB2_4-.Ltmp0, $4  }
0x4: {  	s2 =	rddreg [dreg:$0x1]  }
0x5: {  	s14 =	rddreg [dreg:$0x2];
	s3 =	simm.s32 $0x0  }
0x6: {  	[smem:$0x7FF] =	sst s3  }
0x7: {  	s0 =	rddreg [dreg:$0x3];
	_ =	strace $0x80000047  }
0x8: {  	s5 =	srdreg.scid  }
0x9: {  	s30 =	sshll.u32 s1, $0x1;
	s12 =	sand.u32 $0x1, s5  }
0xa: {  	s15 =	sor.u32 s12, s30  }
0xb: {  	s5 =	sadd.s32 s4, s15;
	s4 =	simm.s32 $0x2  }
0xc: {  	[tilespmem:s3], [sflag:$0x2] =	stream.linear.gather [hbm4b:s5+s3], $0x8, $0x38;
	[tilespmem:$0x2080] =	vst v63  }
0xd: {  	_ =	swait.ge [sflag:s4], $0x8  }
0xe: {  	[sflag:s4] =	ssyncset.done $0x0  }
0xf: {  	[sflag:s4] =	ssyncadd.s32 $0xFFFFFFF8  }
0x10: {  	v0 =	vld.msk [tilespmem:$0x0], $0xff;
	_ =	sdelay $0x4  }
0x11: {  	v1 =	vshll.u32 v0, $0x3  }
0x12: {  	v2 =	vlaneseq.u32;
	v3 =	vand.u32 $0x7, v0;
	v1 =	vand.u32 $0xFFFFFFC0, v1  }
0x13: {  	v0 =	vand.u32 $0x7, v2;
	v2 =	vshrl.u32 v2, $0x3;
	v3 =	vor.u32 v3, v1  }
0x14: {  	v1 =	vmul.u32 $0x8, v2;
	v2 =	vperm.xlane v3, v0;
	_ =	sdelay $0x1  }
0x15: {  	v2 =	vadd.s32 v1, v2;
	_ =	sdelay $0x3  }
0x16: {  	vm0 =	vmmov $0xffff;
	s6 =	simm.s32 $0x80;
	s7 =	sadd.s32 $0x100, s2;
	s16 =	ssub.s32 $0x2, s12  }
0x17: {  	[tilespmem:s6], [sflag:$0x1] =	stream.indirect_vreg.gather [hbm4b:s2+s3], $0x80, v2, vm0, $0xb8;
	[tilespmem:$0x2080] =	vst v63  }
0x18: {  	s8 =	simm.s32 $0x880;
	s9 =	sadd.s32 $0x200, s2;
	s17 =	sshrl.u32 s16, $0x1  }
0x19: {  	[tilespmem:s8], [sflag:$0x1] =	stream.indirect_vreg.gather [hbm4b:s7+s3], $0x80, v2, vm0, $0xb8;
	[tilespmem:$0x2080] =	vst v63  }
0x1a: {  	s10 =	sadd.s32 $0x300, s2;
	s11 =	simm.s32 $0x1080;
	s16 =	ssub.s32 s16, s17  }
0x1b: {  	[tilespmem:s11], [sflag:$0x1] =	stream.indirect_vreg.gather [hbm4b:s9+s3], $0x80, v2, vm0, $0xb8;
	[tilespmem:$0x2080] =	vst v63  }
0x1c: {  	s13 =	simm.s32 $0x1;
	s12 =	simm.s32 $0x1880;
	s31 =	smax.u32 s16, $0x1  }
0x1d: {  	[tilespmem:s12], [sflag:$0x1] =	stream.indirect_vreg.gather [hbm4b:s10+s3], $0x80, v2, vm0, $0xb8;
	[tilespmem:$0x2080] =	vst v63  }
0x1e: {  	p0 =	sne.s32 s31, $0x1;
	_ =	swait.ge [sflag:s13], $0x2000  }
.Ltmp1:
0x1f: {  	s15 =	sshll.u32 s15, $0xA;
	[sflag:s13] =	ssyncset.done $0x0;
	(pc) =	sbr.rel @!p0 .LBB2_3-.Ltmp1, $4  }
0x20: {  	s14 =	sadd.s32 s14, s15;
	[sflag:s13] =	ssyncadd.s32 $0xFFFFE000  }
0x21: {  	[hbm4b:s14+s3] =	stream.linear.scatter [tilespmem:s6], [sflag:$0x2], $0x2000, $0x38;
	[tilespmem:$0x2080] =	vst v63  }
0x22: {  	_ =	swait.ge [sflag:s4], $0x2000  }
0x23: {  	s15 =	sadd.s32 $0xFFFFFFFF, s31;
	[sflag:s4] =	ssyncset.done $0x0  }
.LBB2_2:
0x24: {  	p0 =	sne.s32 s15, $0x1;
	s15 =	sadd.s32 $0xFFFFFFFF, s15;
	[sflag:s4] =	ssyncadd.s32 $0xFFFFE000  }
0x25: {  	[tilespmem:s3], [sflag:$0x2] =	stream.linear.gather [hbm4b:s5+s3], $0x8, $0x38;
	[tilespmem:$0x2080] =	vst v63  }
0x26: {  	_ =	swait.ge [sflag:s4], $0x8  }
0x27: {  	[sflag:s4] =	ssyncset.done $0x0  }
0x28: {  	[sflag:s4] =	ssyncadd.s32 $0xFFFFFFF8  }
0x29: {  	v2 =	vld.msk [tilespmem:$0x0], $0xff;
	_ =	sdelay $0x4  }
0x2a: {  	v3 =	vshll.u32 v2, $0x3  }
0x2b: {  	v2 =	vand.u32 $0x7, v2;
	v3 =	vand.u32 $0xFFFFFFC0, v3  }
0x2c: {  	v2 =	vor.u32 v2, v3  }
0x2d: {  	v2 =	vperm.xlane v2, v0;
	_ =	sdelay $0x1  }
0x2e: {  	v2 =	vadd.s32 v1, v2;
	_ =	sdelay $0x4  }
0x2f: {  	[tilespmem:s6], [sflag:$0x1] =	stream.indirect_vreg.gather [hbm4b:s2+s3], $0x80, v2, vm0, $0xb8;
	[tilespmem:$0x2080] =	vst v63  }
0x30: {  	_ = 	snop  }
0x31: {  	[tilespmem:s8], [sflag:$0x1] =	stream.indirect_vreg.gather [hbm4b:s7+s3], $0x80, v2, vm0, $0xb8;
	[tilespmem:$0x2080] =	vst v63  }
0x32: {  	_ = 	snop  }
0x33: {  	[tilespmem:s11], [sflag:$0x1] =	stream.indirect_vreg.gather [hbm4b:s9+s3], $0x80, v2, vm0, $0xb8;
	[tilespmem:$0x2080] =	vst v63  }
0x34: {  	_ = 	snop  }
0x35: {  	[tilespmem:s12], [sflag:$0x1] =	stream.indirect_vreg.gather [hbm4b:s10+s3], $0x80, v2, vm0, $0xb8;
	[tilespmem:$0x2080] =	vst v63  }
0x36: {  	_ =	swait.ge [sflag:s13], $0x2000  }
.Ltmp2:
0x37: {  	[sflag:s13] =	ssyncset.done $0x0;
	(pc) =	sbr.rel @p0 .LBB2_2-.Ltmp2, $4  }
0x38: {  	[sflag:s13] =	ssyncadd.s32 $0xFFFFE000  }
0x39: {  	[hbm4b:s14+s3] =	stream.linear.scatter [tilespmem:s6], [sflag:$0x2], $0x2000, $0x38;
	[tilespmem:$0x2080] =	vst v63  }
0x3a: {  	_ =	swait.ge [sflag:s4], $0x2000  }
0x3b: {  	[sflag:s4] =	ssyncset.done $0x0  }
.LBB2_3:
0x3c: {  	[sflag:s4] =	ssyncadd.s32 $0xFFFFE000  }
.LBB2_4:
0x3d: {  	_ =	sfence.sel $0x180000  }
0x3e: {  	[bflag:$0x0] =	sbarrier.arrive $0xFFFF  }
0x3f: {  	p0 =	sne.s32 s1, $0x0;
	_ =	strace $0x90000047  }
0x40: {  	s0 =	sadd.s32 @!p0 $0x100000, s0;
	[bflag:$0x2] =	sbarrier.arrive $0xFFFF  }
0x41: {  	[sflag:s0] =	ssyncadd.tile.s32 @!p0 $0x1;
	_ =	shalt  }
.Lfunc_end2:
_tile_overlayer_lowered:
.L_overlay_start_2:
0x42: {  	(tag) =	ssettag $0x2  }
0x43: {  	s0 =	rddreg [dreg:$0x0];
	s2 =	stileid.u32  }
0x44: {  	s1 =	rddreg [dreg:$0x1];
	p0 =	sne.s32 s2, $0x0  }
0x45: {  	s3 =	rddreg [dreg:$0x2];
	[bflag:$0x3] =	sbarrier.arrive $0xFFFF;
	s2 =	simm.s32 @!p0 $0x1C02  }
0x46: {  	[timem:s3], [sflag:s2] =	dma.local @!p0 [hbm:s0], s1  }
0x47: {  	s0 =	simm.s32 @!p0 $0x2  }
0x48: {  	_ =	swait.ge @!p0 [sflag:s0], s1  }
0x49: {  	s1 =	ssub.s32 @!p0 $0x0, s1;
	[sflag:s0] =	ssyncset.done @!p0 $0x0  }
0x4a: {  	[sflag:s0] =	ssyncadd.s32 @!p0 s1  }
0x4b: {  	[bflag:$0x3] =	sbarrier.arrive $0xFFFF  }
0x4c: {  	_ =	shalt  }

</sc_bundles>
